<compile_context>
chip_gen: v7x
topology: tpu7x:2x2x1
jax: 0.10.2.dev20260603
libtpu: 0.0.44.dev20260713+nightly
codegen_flags: <defaults>
</compile_context>

<pallas_src>
import functools

import jax
import jax.numpy as jnp
from jax import lax
from jax.experimental import pallas as pl
from jax.experimental.pallas import tpu as pltpu
from jax.experimental.pallas import tpu_sc as plsc

VOCAB = 100000
EMBED = 32
BATCH = 1024
CTX = 20

NC, NS = 2, 16
NW = NC * NS
BPW = BATCH // NW
IDX_PER_W = BPW * CTX
IDX_CHUNK = 128
N_CHUNKS = IDX_PER_W // IDX_CHUNK

LANE_PAD = 128


@functools.cache
def _make_sc_pool():
    mesh = plsc.VectorSubcoreMesh(core_axis_name="c", subcore_axis_name="s")
    return pl.kernel(
        _sc_pool_body,
        out_type=jax.ShapeDtypeStruct((BATCH, EMBED), jnp.float32),
        mesh=mesh,
        scratch_types=[
            pltpu.VMEM((N_CHUNKS, IDX_CHUNK), jnp.int32),
            pltpu.VMEM((IDX_PER_W, LANE_PAD), jnp.float32),
            pltpu.VMEM((BPW, EMBED), jnp.float32),
            pltpu.SemaphoreType.DMA,
        ],
        compiler_params=pltpu.CompilerParams(use_tc_tiling_on_sc=True),
    )


def _sc_pool_body(table_hbm, idx_hbm, out_hbm, idx_v, rows_v, pooled_v, sem):
    wid = lax.axis_index("s") * NC + lax.axis_index("c")
    pltpu.sync_copy(idx_hbm.at[wid], idx_v)
    copies = []
    for j in range(N_CHUNKS):
        copies.append(
            pltpu.async_copy(
                table_hbm.at[idx_v.at[j]],
                rows_v.at[pl.ds(j * IDX_CHUNK, IDX_CHUNK)],
                sem,
            )
        )
    for c in copies:
        c.wait()

    inv = jnp.float32(1.0 / CTX)

    def body_e(e, _):
        def body_r(r, acc):
            a0, a1 = acc
            row = e * CTX + r
            return (a0 + rows_v[row, pl.ds(0, 16)],
                    a1 + rows_v[row, pl.ds(16, 16)])

        a0, a1 = lax.fori_loop(
            0, CTX, body_r,
            (jnp.zeros(16, jnp.float32), jnp.zeros(16, jnp.float32)),
        )
        pooled_v[e, pl.ds(0, 16)] = a0 * inv
        pooled_v[e, pl.ds(16, 16)] = a1 * inv
        return 0

    lax.fori_loop(0, BPW, body_e, 0)
    pltpu.sync_copy(pooled_v, out_hbm.at[pl.ds(wid * BPW, BPW)])


T_TILE = 4096


def _tc_transpose_body(emb_t_ref, eye_ref, out_ref):
    out_ref[...] = lax.dot_general(
        emb_t_ref[...], eye_ref[...],
        (((0,), (0,)), ((), ())),
        preferred_element_type=jnp.float32,
    )


def _tc_transpose_pad(emb_t, eye):
    nb = (VOCAB + T_TILE - 1) // T_TILE
    return pl.pallas_call(
        _tc_transpose_body,
        grid=(nb,),
        in_specs=[
            pl.BlockSpec((EMBED, T_TILE), lambda j: (0, j)),
            pl.BlockSpec((EMBED, LANE_PAD), lambda j: (0, 0)),
        ],
        out_specs=pl.BlockSpec((T_TILE, LANE_PAD), lambda j: (j, 0)),
        out_shape=jax.ShapeDtypeStruct((VOCAB, LANE_PAD), jnp.float32),
        compiler_params=pltpu.CompilerParams(
            dimension_semantics=("arbitrary",),
        ),
    )(emb_t, eye)


N_TILE = 2048


def _tc_matmul_body(pt_ref, wt_ref, b_ref, out_ref):
    acc = lax.dot_general(
        wt_ref[...], pt_ref[...],
        (((0,), (0,)), ((), ())),
        preferred_element_type=jnp.float32,
    )
    out_ref[...] = acc + jnp.transpose(b_ref[...])


def _tc_matmul_t(pooled_t, wt, b2d):
    n_blocks = (VOCAB + N_TILE - 1) // N_TILE
    return pl.pallas_call(
        _tc_matmul_body,
        grid=(n_blocks,),
        in_specs=[
            pl.BlockSpec((EMBED, BATCH), lambda j: (0, 0)),
            pl.BlockSpec((EMBED, N_TILE), lambda j: (0, j)),
            pl.BlockSpec((1, N_TILE), lambda j: (0, j)),
        ],
        out_specs=pl.BlockSpec((N_TILE, BATCH), lambda j: (j, 0)),
        out_shape=jax.ShapeDtypeStruct((VOCAB, BATCH), jnp.float32),
        compiler_params=pltpu.CompilerParams(
            dimension_semantics=("arbitrary",),
        ),
    )(pooled_t, wt, b2d)


def kernel(inputs, emb_table, W, b):
    idx = inputs.astype(jnp.int32).reshape(NW, N_CHUNKS, IDX_CHUNK)
    table128 = _tc_transpose_pad(
        emb_table.T, jnp.eye(EMBED, LANE_PAD, dtype=jnp.float32))
    pooled = _make_sc_pool()(table128, idx)
    out_t = _tc_matmul_t(pooled.T, W.T, b.reshape(1, VOCAB))
    return out_t.T

# --- scband reference (transcript-rebuilt; emitter-appended) ---
"""Pipeline reference for scband-cbow-39384850104320 (READ-ONLY COPY).

The authoritative reference and input builder live on the scoring server;
editing this copy changes nothing except your own understanding.
"""

import jax, jax.numpy as jnp
import numpy as np

VOCAB = 100000
EMBED = 32
BATCH = 1024
CTX = 20


def setup_inputs(seed: int = 0) -> dict:
    key = jax.random.key(seed)
    k1, k2, k3, k4 = jax.random.split(key, 4)
    inputs = jax.random.randint(k1, (BATCH, CTX), 0, VOCAB, dtype=jnp.int64 if jax.config.jax_enable_x64 else jnp.int32)
    emb_table = jax.random.normal(k2, (VOCAB, EMBED), dtype=jnp.float32)
    W = jax.random.normal(k3, (VOCAB, EMBED), dtype=jnp.float32) * (1.0 / np.sqrt(EMBED))
    b = jax.random.normal(k4, (VOCAB,), dtype=jnp.float32) * 0.01
    return {"inputs": inputs, "emb_table": emb_table, "W": W, "b": b}


def reference(inputs, emb_table, W, b):
    # CBOW forward: gather context embeddings, mean-pool over context, project to vocab logits
    embeds = jnp.take(emb_table, inputs, axis=0)  # [B, CTX, EMBED]
    pooled = embeds.mean(axis=1)                   # [B, EMBED]
    logits = pooled @ W.T + b                      # [B, VOCAB]
    return logits

if __name__ == "__main__":
    import jax
    _d = setup_inputs()
    print(jax.jit(kernel)(*tuple(_d.values())))

</pallas_src>

<mosaic_0001>
#map = affine_map<(d0, d1) -> (0, 0)>
#map1 = affine_map<(d0, d1) -> (0, 0, 0)>
module attributes {stable_mosaic.version = 14 : i64} {
  func.func @_sc_pool_body(%arg0: i32, %arg1: i32, %arg2: memref<100000x128xf32, #tpu.memory_space<hbm>>, %arg3: memref<32x5x128xi32, #tpu.memory_space<hbm>>, %arg4: memref<1024x32xf32, #tpu.memory_space<hbm>>, %arg5: memref<5x128xi32, #tpu.memory_space<vmem>>, %arg6: memref<640x128xf32, #tpu.memory_space<vmem>>, %arg7: memref<32x32xf32, #tpu.memory_space<vmem>>, %arg8: memref<!tpu.dma_semaphore, #tpu.memory_space<semaphore_mem>>) attributes {dimension_semantics = [#tpu.dimension_semantics<core_parallel>, #tpu.dimension_semantics<subcore_parallel>], iteration_bounds = array<i64: 2, 16>, scalar_prefetch = 0 : i64, scratch_operands = 4 : i64, tpu.core_type = #tpu.core_type<sc_vector_subcore>, window_params = [{transform_indices = #map}, {transform_indices = #map1}, {transform_indices = #map}]} {
    %mul3A = arith.constant 2 : i32
    %mul3A_0 = arith.muli %arg1, %mul3A : i32
    %add3A = arith.addi %mul3A_0, %arg0 : i32
    "tpu.region"() ({
      %run_scoped3A = tpu.sem_alloc : memref<!tpu.dma_semaphore, #tpu.memory_space<semaphore_mem>>
      %dma_start3A_108 = arith.constant 0 : i32
      %dma_start3A_109 = arith.constant 0 : i32
      %dma_start3A_110 = tpu.memref_slice %arg3[%add3A, %dma_start3A_108, %dma_start3A_109] : memref<32x5x128xi32, #tpu.memory_space<hbm>> -> memref<1x5x128xi32, #tpu.memory_space<hbm>>
      %dma_start3A_111 = tpu.memref_squeeze %dma_start3A_110 : memref<1x5x128xi32, #tpu.memory_space<hbm>> -> memref<5x128xi32, #tpu.memory_space<hbm>>
      %dma_start3A_112 = arith.constant 0 : i32
      %dma_start3A_113 = arith.constant 0 : i32
      %dma_start3A_114 = tpu.memref_slice %arg3[%add3A, %dma_start3A_112, %dma_start3A_113] : memref<32x5x128xi32, #tpu.memory_space<hbm>> -> memref<1x5x128xi32, #tpu.memory_space<hbm>>
      %dma_start3A_115 = tpu.memref_squeeze %dma_start3A_114 : memref<1x5x128xi32, #tpu.memory_space<hbm>> -> memref<5x128xi32, #tpu.memory_space<hbm>>
      tpu.enqueue_dma source(%dma_start3A_115 : memref<5x128xi32, #tpu.memory_space<hbm>>) target(%arg5 : memref<5x128xi32, #tpu.memory_space<vmem>>) target_semaphore(%run_scoped3A : memref<!tpu.dma_semaphore, #tpu.memory_space<semaphore_mem>>)
      %dma_wait3A_116 = arith.constant 0 : i32
      %dma_wait3A_117 = arith.constant 0 : i32
      %dma_wait3A_118 = tpu.memref_slice %arg3[%add3A, %dma_wait3A_116, %dma_wait3A_117] : memref<32x5x128xi32, #tpu.memory_space<hbm>> -> memref<1x5x128xi32, #tpu.memory_space<hbm>>
      %dma_wait3A_119 = tpu.memref_squeeze %dma_wait3A_118 : memref<1x5x128xi32, #tpu.memory_space<hbm>> -> memref<5x128xi32, #tpu.memory_space<hbm>>
      %dma_wait3A_120 = arith.constant 0 : i32
      %dma_wait3A_121 = arith.constant 0 : i32
      %dma_wait3A_122 = tpu.memref_slice %arg3[%add3A, %dma_wait3A_120, %dma_wait3A_121] : memref<32x5x128xi32, #tpu.memory_space<hbm>> -> memref<1x5x128xi32, #tpu.memory_space<hbm>>
      %dma_wait3A_123 = tpu.memref_squeeze %dma_wait3A_122 : memref<1x5x128xi32, #tpu.memory_space<hbm>> -> memref<5x128xi32, #tpu.memory_space<hbm>>
      tpu.wait_dma2 semaphore(%run_scoped3A : memref<!tpu.dma_semaphore, #tpu.memory_space<semaphore_mem>>) src(%dma_wait3A_123 : memref<5x128xi32, #tpu.memory_space<hbm>>) dst(%arg5 : memref<5x128xi32, #tpu.memory_space<vmem>>)
      tpu.yield
    }) : () -> ()
    %dma_start3A = arith.constant 0 : i32
    %dma_start3A_1 = arith.constant 0 : i32
    %dma_start3A_2 = arith.constant 0 : i32
    %dma_start3A_3 = tpu.memref_slice %arg6[%dma_start3A_1, %dma_start3A_2] : memref<640x128xf32, #tpu.memory_space<vmem>> -> memref<128x128xf32, #tpu.memory_space<vmem>>
    %dma_start3A_4 = arith.constant 0 : i32
    %dma_start3A_5 = tpu.memref_slice %arg5[%dma_start3A, %dma_start3A_4] : memref<5x128xi32, #tpu.memory_space<vmem>> -> memref<1x128xi32, #tpu.memory_space<vmem>>
    %dma_start3A_6 = tpu.memref_squeeze %dma_start3A_5 : memref<1x128xi32, #tpu.memory_space<vmem>> -> memref<128xi32, #tpu.memory_space<vmem>>
    %dma_start3A_7 = arith.constant 0 : i32
    %dma_start3A_8 = arith.constant 0 : i32
    %dma_start3A_9 = tpu.memref_slice %arg2[%dma_start3A_7, %dma_start3A_8] : memref<100000x128xf32, #tpu.memory_space<hbm>> -> memref<100000x128xf32, #tpu.memory_space<hbm>>
    tpu.enqueue_indirect_dma source(%dma_start3A_9 : memref<100000x128xf32, #tpu.memory_space<hbm>>) target(%dma_start3A_3 : memref<128x128xf32, #tpu.memory_space<vmem>>) offsets(%dma_start3A_6 : memref<128xi32, #tpu.memory_space<vmem>>) semaphore(%arg8 : memref<!tpu.dma_semaphore, #tpu.memory_space<semaphore_mem>>)
    %dma_start3A_10 = arith.constant 1 : i32
    %dma_start3A_11 = arith.constant 128 : i32
    %dma_start3A_12 = arith.constant 0 : i32
    %dma_start3A_13 = tpu.memref_slice %arg6[%dma_start3A_11, %dma_start3A_12] : memref<640x128xf32, #tpu.memory_space<vmem>> -> memref<128x128xf32, #tpu.memory_space<vmem>>
    %dma_start3A_14 = arith.constant 0 : i32
    %dma_start3A_15 = tpu.memref_slice %arg5[%dma_start3A_10, %dma_start3A_14] : memref<5x128xi32, #tpu.memory_space<vmem>> -> memref<1x128xi32, #tpu.memory_space<vmem>>
    %dma_start3A_16 = tpu.memref_squeeze %dma_start3A_15 : memref<1x128xi32, #tpu.memory_space<vmem>> -> memref<128xi32, #tpu.memory_space<vmem>>
    %dma_start3A_17 = arith.constant 0 : i32
    %dma_start3A_18 = arith.constant 0 : i32
    %dma_start3A_19 = tpu.memref_slice %arg2[%dma_start3A_17, %dma_start3A_18] : memref<100000x128xf32, #tpu.memory_space<hbm>> -> memref<100000x128xf32, #tpu.memory_space<hbm>>
    tpu.enqueue_indirect_dma source(%dma_start3A_19 : memref<100000x128xf32, #tpu.memory_space<hbm>>) target(%dma_start3A_13 : memref<128x128xf32, #tpu.memory_space<vmem>>) offsets(%dma_start3A_16 : memref<128xi32, #tpu.memory_space<vmem>>) semaphore(%arg8 : memref<!tpu.dma_semaphore, #tpu.memory_space<semaphore_mem>>)
    %dma_start3A_20 = arith.constant 2 : i32
    %dma_start3A_21 = arith.constant 256 : i32
    %dma_start3A_22 = arith.constant 0 : i32
    %dma_start3A_23 = tpu.memref_slice %arg6[%dma_start3A_21, %dma_start3A_22] : memref<640x128xf32, #tpu.memory_space<vmem>> -> memref<128x128xf32, #tpu.memory_space<vmem>>
    %dma_start3A_24 = arith.constant 0 : i32
    %dma_start3A_25 = tpu.memref_slice %arg5[%dma_start3A_20, %dma_start3A_24] : memref<5x128xi32, #tpu.memory_space<vmem>> -> memref<1x128xi32, #tpu.memory_space<vmem>>
    %dma_start3A_26 = tpu.memref_squeeze %dma_start3A_25 : memref<1x128xi32, #tpu.memory_space<vmem>> -> memref<128xi32, #tpu.memory_space<vmem>>
    %dma_start3A_27 = arith.constant 0 : i32
    %dma_start3A_28 = arith.constant 0 : i32
    %dma_start3A_29 = tpu.memref_slice %arg2[%dma_start3A_27, %dma_start3A_28] : memref<100000x128xf32, #tpu.memory_space<hbm>> -> memref<100000x128xf32, #tpu.memory_space<hbm>>
    tpu.enqueue_indirect_dma source(%dma_start3A_29 : memref<100000x128xf32, #tpu.memory_space<hbm>>) target(%dma_start3A_23 : memref<128x128xf32, #tpu.memory_space<vmem>>) offsets(%dma_start3A_26 : memref<128xi32, #tpu.memory_space<vmem>>) semaphore(%arg8 : memref<!tpu.dma_semaphore, #tpu.memory_space<semaphore_mem>>)
    %dma_start3A_30 = arith.constant 3 : i32
    %dma_start3A_31 = arith.constant 384 : i32
    %dma_start3A_32 = arith.constant 0 : i32
    %dma_start3A_33 = tpu.memref_slice %arg6[%dma_start3A_31, %dma_start3A_32] : memref<640x128xf32, #tpu.memory_space<vmem>> -> memref<128x128xf32, #tpu.memory_space<vmem>>
    %dma_start3A_34 = arith.constant 0 : i32
    %dma_start3A_35 = tpu.memref_slice %arg5[%dma_start3A_30, %dma_start3A_34] : memref<5x128xi32, #tpu.memory_space<vmem>> -> memref<1x128xi32, #tpu.memory_space<vmem>>
    %dma_start3A_36 = tpu.memref_squeeze %dma_start3A_35 : memref<1x128xi32, #tpu.memory_space<vmem>> -> memref<128xi32, #tpu.memory_space<vmem>>
    %dma_start3A_37 = arith.constant 0 : i32
    %dma_start3A_38 = arith.constant 0 : i32
    %dma_start3A_39 = tpu.memref_slice %arg2[%dma_start3A_37, %dma_start3A_38] : memref<100000x128xf32, #tpu.memory_space<hbm>> -> memref<100000x128xf32, #tpu.memory_space<hbm>>
    tpu.enqueue_indirect_dma source(%dma_start3A_39 : memref<100000x128xf32, #tpu.memory_space<hbm>>) target(%dma_start3A_33 : memref<128x128xf32, #tpu.memory_space<vmem>>) offsets(%dma_start3A_36 : memref<128xi32, #tpu.memory_space<vmem>>) semaphore(%arg8 : memref<!tpu.dma_semaphore, #tpu.memory_space<semaphore_mem>>)
    %dma_start3A_40 = arith.constant 4 : i32
    %dma_start3A_41 = arith.constant 512 : i32
    %dma_start3A_42 = arith.constant 0 : i32
    %dma_start3A_43 = tpu.memref_slice %arg6[%dma_start3A_41, %dma_start3A_42] : memref<640x128xf32, #tpu.memory_space<vmem>> -> memref<128x128xf32, #tpu.memory_space<vmem>>
    %dma_start3A_44 = arith.constant 0 : i32
    %dma_start3A_45 = tpu.memref_slice %arg5[%dma_start3A_40, %dma_start3A_44] : memref<5x128xi32, #tpu.memory_space<vmem>> -> memref<1x128xi32, #tpu.memory_space<vmem>>
    %dma_start3A_46 = tpu.memref_squeeze %dma_start3A_45 : memref<1x128xi32, #tpu.memory_space<vmem>> -> memref<128xi32, #tpu.memory_space<vmem>>
    %dma_start3A_47 = arith.constant 0 : i32
    %dma_start3A_48 = arith.constant 0 : i32
    %dma_start3A_49 = tpu.memref_slice %arg2[%dma_start3A_47, %dma_start3A_48] : memref<100000x128xf32, #tpu.memory_space<hbm>> -> memref<100000x128xf32, #tpu.memory_space<hbm>>
    tpu.enqueue_indirect_dma source(%dma_start3A_49 : memref<100000x128xf32, #tpu.memory_space<hbm>>) target(%dma_start3A_43 : memref<128x128xf32, #tpu.memory_space<vmem>>) offsets(%dma_start3A_46 : memref<128xi32, #tpu.memory_space<vmem>>) semaphore(%arg8 : memref<!tpu.dma_semaphore, #tpu.memory_space<semaphore_mem>>)
    %dma_wait3A = arith.constant 0 : i32
    %dma_wait3A_50 = arith.constant 0 : i32
    %dma_wait3A_51 = arith.constant 0 : i32
    %dma_wait3A_52 = tpu.memref_slice %arg6[%dma_wait3A_50, %dma_wait3A_51] : memref<640x128xf32, #tpu.memory_space<vmem>> -> memref<128x128xf32, #tpu.memory_space<vmem>>
    %dma_wait3A_53 = arith.constant 0 : i32
    %dma_wait3A_54 = tpu.memref_slice %arg5[%dma_wait3A, %dma_wait3A_53] : memref<5x128xi32, #tpu.memory_space<vmem>> -> memref<1x128xi32, #tpu.memory_space<vmem>>
    %dma_wait3A_55 = tpu.memref_squeeze %dma_wait3A_54 : memref<1x128xi32, #tpu.memory_space<vmem>> -> memref<128xi32, #tpu.memory_space<vmem>>
    %dma_wait3A_56 = arith.constant 0 : i32
    %dma_wait3A_57 = arith.constant 0 : i32
    %dma_wait3A_58 = tpu.memref_slice %arg2[%dma_wait3A_56, %dma_wait3A_57] : memref<100000x128xf32, #tpu.memory_space<hbm>> -> memref<100000x128xf32, #tpu.memory_space<hbm>>
    tpu.wait_indirect_dma semaphore(%arg8 : memref<!tpu.dma_semaphore, #tpu.memory_space<semaphore_mem>>) src(%dma_wait3A_58 : memref<100000x128xf32, #tpu.memory_space<hbm>>) dst(%dma_wait3A_52 : memref<128x128xf32, #tpu.memory_space<vmem>>)
    %dma_wait3A_59 = arith.constant 1 : i32
    %dma_wait3A_60 = arith.constant 128 : i32
    %dma_wait3A_61 = arith.constant 0 : i32
    %dma_wait3A_62 = tpu.memref_slice %arg6[%dma_wait3A_60, %dma_wait3A_61] : memref<640x128xf32, #tpu.memory_space<vmem>> -> memref<128x128xf32, #tpu.memory_space<vmem>>
    %dma_wait3A_63 = arith.constant 0 : i32
    %dma_wait3A_64 = tpu.memref_slice %arg5[%dma_wait3A_59, %dma_wait3A_63] : memref<5x128xi32, #tpu.memory_space<vmem>> -> memref<1x128xi32, #tpu.memory_space<vmem>>
    %dma_wait3A_65 = tpu.memref_squeeze %dma_wait3A_64 : memref<1x128xi32, #tpu.memory_space<vmem>> -> memref<128xi32, #tpu.memory_space<vmem>>
    %dma_wait3A_66 = arith.constant 0 : i32
    %dma_wait3A_67 = arith.constant 0 : i32
    %dma_wait3A_68 = tpu.memref_slice %arg2[%dma_wait3A_66, %dma_wait3A_67] : memref<100000x128xf32, #tpu.memory_space<hbm>> -> memref<100000x128xf32, #tpu.memory_space<hbm>>
    tpu.wait_indirect_dma semaphore(%arg8 : memref<!tpu.dma_semaphore, #tpu.memory_space<semaphore_mem>>) src(%dma_wait3A_68 : memref<100000x128xf32, #tpu.memory_space<hbm>>) dst(%dma_wait3A_62 : memref<128x128xf32, #tpu.memory_space<vmem>>)
    %dma_wait3A_69 = arith.constant 2 : i32
    %dma_wait3A_70 = arith.constant 256 : i32
    %dma_wait3A_71 = arith.constant 0 : i32
    %dma_wait3A_72 = tpu.memref_slice %arg6[%dma_wait3A_70, %dma_wait3A_71] : memref<640x128xf32, #tpu.memory_space<vmem>> -> memref<128x128xf32, #tpu.memory_space<vmem>>
    %dma_wait3A_73 = arith.constant 0 : i32
    %dma_wait3A_74 = tpu.memref_slice %arg5[%dma_wait3A_69, %dma_wait3A_73] : memref<5x128xi32, #tpu.memory_space<vmem>> -> memref<1x128xi32, #tpu.memory_space<vmem>>
    %dma_wait3A_75 = tpu.memref_squeeze %dma_wait3A_74 : memref<1x128xi32, #tpu.memory_space<vmem>> -> memref<128xi32, #tpu.memory_space<vmem>>
    %dma_wait3A_76 = arith.constant 0 : i32
    %dma_wait3A_77 = arith.constant 0 : i32
    %dma_wait3A_78 = tpu.memref_slice %arg2[%dma_wait3A_76, %dma_wait3A_77] : memref<100000x128xf32, #tpu.memory_space<hbm>> -> memref<100000x128xf32, #tpu.memory_space<hbm>>
    tpu.wait_indirect_dma semaphore(%arg8 : memref<!tpu.dma_semaphore, #tpu.memory_space<semaphore_mem>>) src(%dma_wait3A_78 : memref<100000x128xf32, #tpu.memory_space<hbm>>) dst(%dma_wait3A_72 : memref<128x128xf32, #tpu.memory_space<vmem>>)
    %dma_wait3A_79 = arith.constant 3 : i32
    %dma_wait3A_80 = arith.constant 384 : i32
    %dma_wait3A_81 = arith.constant 0 : i32
    %dma_wait3A_82 = tpu.memref_slice %arg6[%dma_wait3A_80, %dma_wait3A_81] : memref<640x128xf32, #tpu.memory_space<vmem>> -> memref<128x128xf32, #tpu.memory_space<vmem>>
    %dma_wait3A_83 = arith.constant 0 : i32
    %dma_wait3A_84 = tpu.memref_slice %arg5[%dma_wait3A_79, %dma_wait3A_83] : memref<5x128xi32, #tpu.memory_space<vmem>> -> memref<1x128xi32, #tpu.memory_space<vmem>>
    %dma_wait3A_85 = tpu.memref_squeeze %dma_wait3A_84 : memref<1x128xi32, #tpu.memory_space<vmem>> -> memref<128xi32, #tpu.memory_space<vmem>>
    %dma_wait3A_86 = arith.constant 0 : i32
    %dma_wait3A_87 = arith.constant 0 : i32
    %dma_wait3A_88 = tpu.memref_slice %arg2[%dma_wait3A_86, %dma_wait3A_87] : memref<100000x128xf32, #tpu.memory_space<hbm>> -> memref<100000x128xf32, #tpu.memory_space<hbm>>
    tpu.wait_indirect_dma semaphore(%arg8 : memref<!tpu.dma_semaphore, #tpu.memory_space<semaphore_mem>>) src(%dma_wait3A_88 : memref<100000x128xf32, #tpu.memory_space<hbm>>) dst(%dma_wait3A_82 : memref<128x128xf32, #tpu.memory_space<vmem>>)
    %dma_wait3A_89 = arith.constant 4 : i32
    %dma_wait3A_90 = arith.constant 512 : i32
    %dma_wait3A_91 = arith.constant 0 : i32
    %dma_wait3A_92 = tpu.memref_slice %arg6[%dma_wait3A_90, %dma_wait3A_91] : memref<640x128xf32, #tpu.memory_space<vmem>> -> memref<128x128xf32, #tpu.memory_space<vmem>>
    %dma_wait3A_93 = arith.constant 0 : i32
    %dma_wait3A_94 = tpu.memref_slice %arg5[%dma_wait3A_89, %dma_wait3A_93] : memref<5x128xi32, #tpu.memory_space<vmem>> -> memref<1x128xi32, #tpu.memory_space<vmem>>
    %dma_wait3A_95 = tpu.memref_squeeze %dma_wait3A_94 : memref<1x128xi32, #tpu.memory_space<vmem>> -> memref<128xi32, #tpu.memory_space<vmem>>
    %dma_wait3A_96 = arith.constant 0 : i32
    %dma_wait3A_97 = arith.constant 0 : i32
    %dma_wait3A_98 = tpu.memref_slice %arg2[%dma_wait3A_96, %dma_wait3A_97] : memref<100000x128xf32, #tpu.memory_space<hbm>> -> memref<100000x128xf32, #tpu.memory_space<hbm>>
    tpu.wait_indirect_dma semaphore(%arg8 : memref<!tpu.dma_semaphore, #tpu.memory_space<semaphore_mem>>) src(%dma_wait3A_98 : memref<100000x128xf32, #tpu.memory_space<hbm>>) dst(%dma_wait3A_92 : memref<128x128xf32, #tpu.memory_space<vmem>>)
    %scan3A = arith.constant 5.000000e-02 : f32
    %scan3A_99 = arith.constant 0 : i32
    %scan3A_100 = arith.constant 0 : i32
    %scan3A_101 = arith.constant 32 : i32
    %scan3A_102 = arith.addi %scan3A_100, %scan3A_101 : i32
    %scan3A_103 = arith.constant 1 : i32
    %scan3A_104 = scf.for %scan3A_108 = %scan3A_100 to %scan3A_102 step %scan3A_103 iter_args(%scan3A_109 = %scan3A_99) -> (i32)  : i32 {
      %broadcast_in_dim3A = arith.constant 0.000000e+00 : f32
      %broadcast_in_dim3A_110 = vector.broadcast %broadcast_in_dim3A : f32 to vector<16xf32>
      %broadcast_in_dim3A_111 = arith.constant 0.000000e+00 : f32
      %broadcast_in_dim3A_112 = vector.broadcast %broadcast_in_dim3A_111 : f32 to vector<16xf32>
      %scan3A_113 = arith.constant 0 : i32
      %scan3A_114 = arith.constant 20 : i32
      %scan3A_115 = arith.addi %scan3A_113, %scan3A_114 : i32
      %scan3A_116 = arith.constant 1 : i32
      %scan3A_117:2 = scf.for %scan3A_133 = %scan3A_113 to %scan3A_115 step %scan3A_116 iter_args(%scan3A_134 = %broadcast_in_dim3A_110, %scan3A_135 = %broadcast_in_dim3A_112) -> (vector<16xf32>, vector<16xf32>)  : i32 {
        %mul3A_136 = arith.constant 20 : i32
        %mul3A_137 = arith.muli %scan3A_108, %mul3A_136 : i32
        %add3A_138 = arith.addi %mul3A_137, %scan3A_133 : i32
        %get3A = arith.index_cast %add3A_138 : i32 to index
        %get3A_139 = arith.constant 0 : index
        %get3A_140 = tpu.vector_load %arg6[%get3A, %get3A_139] {strides = array<i32>} : memref<640x128xf32, #tpu.memory_space<vmem>>, vector<1x16xf32>,
        %get3A_141 = vector.shape_cast %get3A_140 : vector<1x16xf32> to vector<16xf32>
        %add3A_142 = arith.addf %scan3A_134, %get3A_141 : vector<16xf32>
        %get3A_143 = arith.index_cast %add3A_138 : i32 to index
        %get3A_144 = arith.constant 16 : index
        %get3A_145 = tpu.vector_load %arg6[%get3A_143, %get3A_144] {strides = array<i32>} : memref<640x128xf32, #tpu.memory_space<vmem>>, vector<1x16xf32>,
        %get3A_146 = vector.shape_cast %get3A_145 : vector<1x16xf32> to vector<16xf32>
        %add3A_147 = arith.addf %scan3A_135, %get3A_146 : vector<16xf32>
        scf.yield %add3A_142, %add3A_147 : vector<16xf32>, vector<16xf32>
      }
      %scan3A_118 = arith.constant 20 : i32
      %mul3A_119 = vector.broadcast %scan3A : f32 to vector<16xf32>
      %mul3A_120 = arith.mulf %scan3A_117#0, %mul3A_119 : vector<16xf32>
      %swap3A = arith.index_cast %scan3A_108 : i32 to index
      %swap3A_121 = arith.constant 0 : index
      %swap3A_122 = tpu.vector_load %arg7[%swap3A, %swap3A_121] {strides = array<i32>} : memref<32x32xf32, #tpu.memory_space<vmem>>, vector<1x16xf32>,
      %swap3A_123 = vector.shape_cast %swap3A_122 : vector<1x16xf32> to vector<16xf32>
      %swap3A_124 = vector.shape_cast %mul3A_120 : vector<16xf32> to vector<1x16xf32>
      tpu.vector_store %arg7[%swap3A, %swap3A_121], %swap3A_124 {strides = array<i32>} : memref<32x32xf32, #tpu.memory_space<vmem>>, vector<1x16xf32>,
      %mul3A_125 = vector.broadcast %scan3A : f32 to vector<16xf32>
      %mul3A_126 = arith.mulf %scan3A_117#1, %mul3A_125 : vector<16xf32>
      %swap3A_127 = arith.index_cast %scan3A_108 : i32 to index
      %swap3A_128 = arith.constant 16 : index
      %swap3A_129 = tpu.vector_load %arg7[%swap3A_127, %swap3A_128] {strides = array<i32>} : memref<32x32xf32, #tpu.memory_space<vmem>>, vector<1x16xf32>,
      %swap3A_130 = vector.shape_cast %swap3A_129 : vector<1x16xf32> to vector<16xf32>
      %swap3A_131 = vector.shape_cast %mul3A_126 : vector<16xf32> to vector<1x16xf32>
      tpu.vector_store %arg7[%swap3A_127, %swap3A_128], %swap3A_131 {strides = array<i32>} : memref<32x32xf32, #tpu.memory_space<vmem>>, vector<1x16xf32>,
      %scan3A_132 = arith.constant 0 : i32
      scf.yield %scan3A_132 : i32
    }
    %scan3A_105 = arith.constant 32 : i32
    %mul3A_106 = arith.constant 32 : i32
    %mul3A_107 = arith.muli %add3A, %mul3A_106 : i32
    "tpu.region"() ({
      %run_scoped3A = tpu.sem_alloc : memref<!tpu.dma_semaphore, #tpu.memory_space<semaphore_mem>>
      %dma_start3A_108 = arith.constant 0 : i32
      %dma_start3A_109 = tpu.memref_slice %arg4[%mul3A_107, %dma_start3A_108] : memref<1024x32xf32, #tpu.memory_space<hbm>> -> memref<32x32xf32, #tpu.memory_space<hbm>>
      %dma_start3A_110 = arith.constant 0 : i32
      %dma_start3A_111 = tpu.memref_slice %arg4[%mul3A_107, %dma_start3A_110] : memref<1024x32xf32, #tpu.memory_space<hbm>> -> memref<32x32xf32, #tpu.memory_space<hbm>>
      tpu.enqueue_dma source(%arg7 : memref<32x32xf32, #tpu.memory_space<vmem>>) target(%dma_start3A_111 : memref<32x32xf32, #tpu.memory_space<hbm>>) target_semaphore(%run_scoped3A : memref<!tpu.dma_semaphore, #tpu.memory_space<semaphore_mem>>)
      %dma_wait3A_112 = arith.constant 0 : i32
      %dma_wait3A_113 = tpu.memref_slice %arg4[%mul3A_107, %dma_wait3A_112] : memref<1024x32xf32, #tpu.memory_space<hbm>> -> memref<32x32xf32, #tpu.memory_space<hbm>>
      %dma_wait3A_114 = arith.constant 0 : i32
      %dma_wait3A_115 = tpu.memref_slice %arg4[%mul3A_107, %dma_wait3A_114] : memref<1024x32xf32, #tpu.memory_space<hbm>> -> memref<32x32xf32, #tpu.memory_space<hbm>>
      tpu.wait_dma2 semaphore(%run_scoped3A : memref<!tpu.dma_semaphore, #tpu.memory_space<semaphore_mem>>) src(%arg7 : memref<32x32xf32, #tpu.memory_space<vmem>>) dst(%dma_wait3A_115 : memref<32x32xf32, #tpu.memory_space<hbm>>)
      tpu.yield
    }) : () -> ()
    return
  }
}

module attributes {stable_mosaic.version = 14 : i64} {
  func.func @_tc_transpose_body(%arg0: i32, %arg1: memref<32x4096xf32, #tpu.memory_space<vmem>>, %arg2: memref<32x128xf32, #tpu.memory_space<vmem>>, %arg3: memref<4096x128xf32, #tpu.memory_space<vmem>>) attributes {dimension_semantics = [#tpu.dimension_semantics<arbitrary>], iteration_bounds = array<i64: 25>, scalar_prefetch = 0 : i64, scratch_operands = 0 : i64, tpu.core_type = #tpu.core_type<tc>, window_params = [{transform_indices = @transform_0, window_bounds = array<i64: 32, 4096>}, {pipeline_mode = #tpu.pipeline_mode<synchronous>, transform_indices = @transform_1, window_bounds = array<i64: 32, 128>}, {transform_indices = @transform_2, window_bounds = array<i64: 4096, 128>}]} {
    %get3A = arith.constant 0 : index
    %get3A_0 = arith.constant 0 : index
    %get3A_1 = vector.load %arg1[%get3A, %get3A_0] : memref<32x4096xf32, #tpu.memory_space<vmem>>, vector<32x4096xf32>
    %get3A_2 = arith.constant 0 : index
    %get3A_3 = arith.constant 0 : index
    %get3A_4 = vector.load %arg2[%get3A_2, %get3A_3] : memref<32x128xf32, #tpu.memory_space<vmem>>, vector<32x128xf32>
    %dot_general3A = arith.constant dense<0.000000e+00> : vector<4096x128xf32>
    %dot_general3A_5 = tpu.matmul %get3A_1, %get3A_4, %dot_general3A {dimension_numbers = #tpu.dot_dimension_numbers<[0], [0], [1], [1], [0, 1, 1, 1], [], []>, transpose_lhs_hint = false} : vector<32x4096xf32>, vector<32x128xf32>, vector<4096x128xf32> -> vector<4096x128xf32>
    %swap3A = arith.constant 0 : index
    %swap3A_6 = arith.constant 0 : index
    %swap3A_7 = vector.load %arg3[%swap3A, %swap3A_6] : memref<4096x128xf32, #tpu.memory_space<vmem>>, vector<4096x128xf32>
    tpu.vector_store %arg3[%swap3A, %swap3A_6], %dot_general3A_5 {strides = array<i32>} : memref<4096x128xf32, #tpu.memory_space<vmem>>, vector<4096x128xf32>,
    return
  }
  func.func @transform_0(%arg0: i32) -> (i32, i32) {
    %c0_i32 = arith.constant 0 : i32
    %c0_i32_0 = arith.constant 0 : i32
    return %c0_i32, %arg0 : i32, i32
  }
  func.func @transform_1(%arg0: i32) -> (i32, i32) {
    %c0_i32 = arith.constant 0 : i32
    %c0_i32_0 = arith.constant 0 : i32
    %c0_i32_1 = arith.constant 0 : i32
    return %c0_i32, %c0_i32_0 : i32, i32
  }
  func.func @transform_2(%arg0: i32) -> (i32, i32) {
    %c0_i32 = arith.constant 0 : i32
    %c0_i32_0 = arith.constant 0 : i32
    return %arg0, %c0_i32 : i32, i32
  }
}

module attributes {stable_mosaic.version = 14 : i64} {
  func.func @_tc_matmul_body(%arg0: i32, %arg1: memref<32x1024xf32, #tpu.memory_space<vmem>>, %arg2: memref<32x2048xf32, #tpu.memory_space<vmem>>, %arg3: memref<1x2048xf32, #tpu.memory_space<vmem>>, %arg4: memref<2048x1024xf32, #tpu.memory_space<vmem>>) attributes {dimension_semantics = [#tpu.dimension_semantics<arbitrary>], iteration_bounds = array<i64: 49>, scalar_prefetch = 0 : i64, scratch_operands = 0 : i64, tpu.core_type = #tpu.core_type<tc>, window_params = [{pipeline_mode = #tpu.pipeline_mode<synchronous>, transform_indices = @transform_0, window_bounds = array<i64: 32, 1024>}, {transform_indices = @transform_1, window_bounds = array<i64: 32, 2048>}, {transform_indices = @transform_2, window_bounds = array<i64: 1, 2048>}, {transform_indices = @transform_3, window_bounds = array<i64: 2048, 1024>}]} {
    %get3A = arith.constant 0 : index
    %get3A_0 = arith.constant 0 : index
    %get3A_1 = vector.load %arg2[%get3A, %get3A_0] : memref<32x2048xf32, #tpu.memory_space<vmem>>, vector<32x2048xf32>
    %get3A_2 = arith.constant 0 : index
    %get3A_3 = arith.constant 0 : index
    %get3A_4 = vector.load %arg1[%get3A_2, %get3A_3] : memref<32x1024xf32, #tpu.memory_space<vmem>>, vector<32x1024xf32>
    %dot_general3A = arith.constant dense<0.000000e+00> : vector<2048x1024xf32>
    %dot_general3A_5 = tpu.matmul %get3A_1, %get3A_4, %dot_general3A {dimension_numbers = #tpu.dot_dimension_numbers<[0], [0], [1], [1], [0, 1, 1, 1], [], []>, transpose_lhs_hint = false} : vector<32x2048xf32>, vector<32x1024xf32>, vector<2048x1024xf32> -> vector<2048x1024xf32>
    %get3A_6 = arith.constant 0 : index
    %get3A_7 = arith.constant 0 : index
    %get3A_8 = vector.load %arg3[%get3A_6, %get3A_7] : memref<1x2048xf32, #tpu.memory_space<vmem>>, vector<1x2048xf32>
    %transpose3A = tpu.transpose %get3A_8, [1, 0] : vector<1x2048xf32> -> vector<2048x1xf32>
    %add3A = vector.broadcast %transpose3A : vector<2048x1xf32> to vector<2048x1024xf32>
    %add3A_9 = arith.addf %dot_general3A_5, %add3A : vector<2048x1024xf32>
    %swap3A = arith.constant 0 : index
    %swap3A_10 = arith.constant 0 : index
    %swap3A_11 = vector.load %arg4[%swap3A, %swap3A_10] : memref<2048x1024xf32, #tpu.memory_space<vmem>>, vector<2048x1024xf32>
    tpu.vector_store %arg4[%swap3A, %swap3A_10], %add3A_9 {strides = array<i32>} : memref<2048x1024xf32, #tpu.memory_space<vmem>>, vector<2048x1024xf32>,
    return
  }
  func.func @transform_0(%arg0: i32) -> (i32, i32) {
    %c0_i32 = arith.constant 0 : i32
    %c0_i32_0 = arith.constant 0 : i32
    %c0_i32_1 = arith.constant 0 : i32
    return %c0_i32, %c0_i32_0 : i32, i32
  }
  func.func @transform_1(%arg0: i32) -> (i32, i32) {
    %c0_i32 = arith.constant 0 : i32
    %c0_i32_0 = arith.constant 0 : i32
    return %c0_i32, %arg0 : i32, i32
  }
  func.func @transform_2(%arg0: i32) -> (i32, i32) {
    %c0_i32 = arith.constant 0 : i32
    %c0_i32_0 = arith.constant 0 : i32
    return %c0_i32, %arg0 : i32, i32
  }
  func.func @transform_3(%arg0: i32) -> (i32, i32) {
    %c0_i32 = arith.constant 0 : i32
    %c0_i32_0 = arith.constant 0 : i32
    return %arg0, %c0_i32 : i32, i32
  }
}

</mosaic_0001>

<sc_bundles>
// kernel: kernel.5.cloned.1.call-start
scs
__scs_entry_jumppad:
0x0: {  	(pc) =	sbr.rel $0x88, $3  }
0x1: {  	(tag) =	ssettag $0x0;
	lr =	simm.s32 $0x1  }
0x2: {  	[smem:$0x3F9D] =	sst lr;
	_ =	strace $0xD0000000  }
0x3: {  	_ = 	snop  }
0x4: {  	_ = 	snop  }
0x5: {  	_ = 	snop  }
0x6: {  	_ = 	snop  }
0x7: {  	_ = 	snop  }
__scs_overlays_trampoline_lowered:
0x8: {  	[smem:$0x3FAC] =	sst s0  }
0x9: {  	[smem:$0x3FAD] =	sst s1  }
0xa: {  	[smem:$0x3FAE] =	sst s2  }
0xb: {  	[smem:$0x3FAF] =	sst s3  }
0xc: {  	[smem:$0x3FB0] =	sst s4  }
0xd: {  	[smem:$0x3FB1] =	sst s5  }
0xe: {  	[smem:$0x3FB2] =	sst s6  }
0xf: {  	[smem:$0x3FB3] =	sst s7  }
0x10: {  	[smem:$0x3FB4] =	sst s8  }
0x11: {  	[smem:$0x3FB5] =	sst s9;
	s0 =	simm.s32 @!p0 $0x0  }
0x12: {  	s1 =	sld [smem:$0x3F9B];
	s0 =	simm.s32 @p0 $0x1  }
0x13: {  	[smem:$0x3FB6] =	sst s0;
	s0 =	simm.s32 @!p1 $0x0  }
0x14: {  	s2 =	sld [smem:$0x3F9A];
	s0 =	simm.s32 @p1 $0x1  }
0x15: {  	[smem:$0x3FB7] =	sst s0;
	s0 =	simm.s32 @!p2 $0x0  }
0x16: {  	s3 =	sld [smem:$0x3FDB];
	s0 =	simm.s32 @p2 $0x1  }
0x17: {  	s4 =	simm.s32 $0x1BF5;
	[smem:$0x3FB9] =	sst s0  }
0x18: {  	s0 =	sld [smem:$0x3F9C];
	_ =	swait.ge [sflag:s4], $0x0  }
0x19: {  	s7 =	sld [smem:$0x3F9D]  }
0x1a: {  	s8 =	sadd.s32 $0xFFFFE003, lr  }
0x1b: {  	s9 =	sadd.s32 $0xFFFFFEF7, lr;
	s5 =	simm.s32 $0xFFFFFFFF;
	p2 =	slt.u32 s8, $0xFFFFF086  }
0x1c: {  	p1 =	slt.u32 s9, $0xF7A;
	s5 =	simm.s32 @!p2 $0x0  }
0x1d: {  	s5 =	simm.s32 @p1 $0x1;
	p0 =	seq.s32 s7, s2  }
0x1e: {  	s7 =	smul.u32 @!p0 $0xF7A, s2;
	p2 =	seq.s32 @!p0 s5, $0x0  }
0x1f: {  	s9 =	smul.u32 $0xF7A, s1;
	s8 =	simm.s32 @!p0 $0x1BF5;
	p2 =	por !p2, p0  }
0x20: {  	[sflag:s8] =	ssyncset.s32 @!p0 $0xFFFFF086;
	s6 =	sadd.s32 @!p0 s3, s7;
	s7 =	simm.s32 @!p0 $0x108  }
0x21: {  	s3 =	sadd.s32 s3, s9;
	s6 =	sadd.s32 @!p0 $0x88, s6;
	s7 =	simm.s32 @p2 $0x1082  }
0x22: {  	[simem:s7], [sflag:s8] =	dma.local @!p0 [hbm:s6], $0xF7A  }
0x23: {  	s9 =	sor.u32 $0xD0000000, s2;
	s6 =	simm.s32 $0x108;
	_ =	swait.ge @!p0 [sflag:s8], $0x0  }
0x24: {  	s3 =	sadd.s32 $0x88, s3;
	s6 =	simm.s32 @!p1 $0x1082;
	[sflag:s4] =	ssyncset.s32 $0xFFFFF086  }
0x25: {  	[simem:s6], [sflag:s4] =	dma.local [hbm:s3], $0xF7A  }
0x26: {  	[smem:$0x3F9D] =	sst s1;
	(tag) =	ssettag s2;
	_ =	strace s9  }
0x27: {  	s1 =	sld [smem:$0x3FAD]  }
0x28: {  	s2 =	sld [smem:$0x3FAE]  }
0x29: {  	s4 =	sld [smem:$0x3FB0]  }
0x2a: {  	p0 =	seq.s32 s5, $0x0;
	s5 =	sld [smem:$0x3FB1]  }
0x2b: {  	s6 =	sld [smem:$0x3FB2]  }
0x2c: {  	s7 =	sld [smem:$0x3FB3]  }
0x2d: {  	s3 =	simm.s32 $0x108;
	s8 =	sld [smem:$0x3FB4]  }
0x2e: {  	s3 =	simm.s32 @!p0 $0x1082;
	s9 =	sld [smem:$0x3FB5]  }
0x2f: {  	lr =	sadd.s32 s0, s3;
	s0 =	sld [smem:$0x3FAC]  }
0x30: {  	s3 =	sld [smem:$0x3FAF]  }
0x31: {  	[smem:$0x3FB8] =	sst s10  }
0x32: {  	s10 =	sld [smem:$0x3FB6];
	_ =	sdelay $0x3  }
0x33: {  	p0 =	seq.s32 s10, $0x1;
	s10 =	sld [smem:$0x3FB8];
	_ =	sdelay $0x3  }
0x34: {  	[smem:$0x3FB8] =	sst s10  }
0x35: {  	s10 =	sld [smem:$0x3FB7];
	_ =	sdelay $0x3  }
0x36: {  	p1 =	seq.s32 s10, $0x1;
	s10 =	sld [smem:$0x3FB8];
	_ =	sdelay $0x3  }
0x37: {  	[smem:$0x3FB8] =	sst s10  }
0x38: {  	s10 =	sld [smem:$0x3FB9]  }
0x39: {  	_ = 	snop;
	(pc) =	sbr.ind lr, $3  }
0x3a: {  	_ = 	snop  }
0x3b: {  	_ = 	snop  }
0x3c: {  	p2 =	seq.s32 s10, $0x1;
	s10 =	sld [smem:$0x3FB8]  }
0x3d: {  	_ =	shalt  }
0x3e: {  	_ =	shalt  }
0x3f: {  	_ =	shalt  }
0x40: {  	_ =	shalt  }
0x41: {  	_ =	shalt  }
0x42: {  	_ =	shalt  }
0x43: {  	_ =	shalt  }
0x44: {  	_ =	shalt  }
0x45: {  	_ =	shalt  }
0x46: {  	_ =	shalt  }
0x47: {  	_ =	shalt  }
0x48: {  	_ =	shalt  }
0x49: {  	_ =	shalt  }
0x4a: {  	_ =	shalt  }
0x4b: {  	_ =	shalt  }
0x4c: {  	_ =	shalt  }
0x4d: {  	_ =	shalt  }
0x4e: {  	_ =	shalt  }
0x4f: {  	_ =	shalt  }
0x50: {  	_ =	shalt  }
0x51: {  	_ =	shalt  }
0x52: {  	_ =	shalt  }
0x53: {  	_ =	shalt  }
0x54: {  	_ =	shalt  }
0x55: {  	_ =	shalt  }
0x56: {  	_ =	shalt  }
0x57: {  	_ =	shalt  }
0x58: {  	_ =	shalt  }
0x59: {  	_ =	shalt  }
0x5a: {  	_ =	shalt  }
0x5b: {  	_ =	shalt  }
0x5c: {  	_ =	shalt  }
0x5d: {  	_ =	shalt  }
0x5e: {  	_ =	shalt  }
0x5f: {  	_ =	shalt  }
0x60: {  	_ =	shalt  }
0x61: {  	_ =	shalt  }
0x62: {  	_ =	shalt  }
0x63: {  	_ =	shalt  }
0x64: {  	_ =	shalt  }
0x65: {  	_ =	shalt  }
0x66: {  	_ =	shalt  }
0x67: {  	_ =	shalt  }
0x68: {  	_ =	shalt  }
0x69: {  	_ =	shalt  }
0x6a: {  	_ =	shalt  }
0x6b: {  	_ =	shalt  }
0x6c: {  	_ =	shalt  }
0x6d: {  	_ =	shalt  }
0x6e: {  	_ =	shalt  }
0x6f: {  	_ =	shalt  }
0x70: {  	_ =	shalt  }
0x71: {  	_ =	shalt  }
0x72: {  	_ =	shalt  }
0x73: {  	_ =	shalt  }
0x74: {  	_ =	shalt  }
0x75: {  	_ =	shalt  }
0x76: {  	_ =	shalt  }
0x77: {  	_ =	shalt  }
0x78: {  	_ =	shalt  }
0x79: {  	_ =	shalt  }
0x7a: {  	_ =	shalt  }
0x7b: {  	_ =	shalt  }
0x7c: {  	_ =	shalt  }
0x7d: {  	_ =	shalt  }
0x7e: {  	_ =	shalt  }
0x7f: {  	_ =	shalt  }
0x80: {  	_ =	shalt  }
0x81: {  	_ =	shalt  }
0x82: {  	_ =	shalt  }
0x83: {  	_ =	shalt  }
0x84: {  	_ =	shalt  }
0x85: {  	_ =	shalt  }
0x86: {  	_ =	shalt  }
0x87: {  	_ =	shalt  }
.Lfunc_end0:
.L_simem_size_0:
called_computation_lowered:
.L_overlay_start_0:
0x88: {  	s2 =	sld [smem:$0x3FD9]  }
0x89: {  	s3 =	sld [smem:$0x3FFE];
	_ =	sdelay $0x1  }
0x8a: {  	s1 =	srdreg.scid  }
0x8b: {  	s0 =	sand.u32 $0x1, s1  }
0x8c: {  	s17 =	sshll.u32 s0, $0xA;
	s2 =	sadd.s32 s3, s2  }
0x8d: {  	s2 =	sadd.s32 s2, s17  }
0x8e: {  	[smem:$0x3FC4] =	sst s2  }
0x8f: {  	_ = 	snop  }
0x90: {  	s2 =	sld [smem:$0x3FD0];
	(tm) =	ssettm $0x1  }
0x91: {  	s18 =	sld [smem:$0x3FFB];
	_ =	sdelay $0x3  }
0x92: {  	_ =	strace s18  }
0x93: {  	s3 =	sld [smem:$0x3FFC];
	_ =	sdelay $0x3  }
0x94: {  	_ =	strace s3  }
0x95: {  	s3 =	sld [smem:$0x3FFD];
	_ =	sdelay $0x3  }
0x96: {  	_ =	strace s3  }
0x97: {  	_ =	strace $0x8FFFFFFF  }
0x98: {  	s19 =	sld [smem:$0x3FDB];
	_ =	sdelay $0x1  }
0x99: {  	s4 =	simm.s32 $_scs_section_size  }
0x9a: {  	s5 =	simm.s32 $_size__tile_overlayer_lowered;
	s6 =	simm.s32 $_tile_overlayer_lowered  }
0x9b: {  	s22 =	simm.s32 $0x1BFF;
	s21 =	sshll.u32 s6, $0x1;
	s3 =	sadd.s32 s4, s19  }
0x9c: {  	s7 =	simm.s32 $0x0;
	s20 =	sshll.u32 s5, $0x1;
	s5 =	sadd.s32 s21, s3  }
0x9d: {  	[timem:s7], [sflag:s22] =	dma.local [hbm:s5], s20  }
0x9e: {  	_ =	swait.ge [sflag:s22], s20  }
0x9f: {  	s4 =	ssub.s32 $0x0, s20;
	[sflag:s22] =	ssyncset.done $0x0  }
0xa0: {  	[sflag:s22] =	ssyncadd.s32 s4;
	_ =	sdelay $0x1  }
0xa1: {  	s23 =	simm.s32 $0x1B8B  }
0xa2: {  	_ =	swait.ge [sflag:s23], $0x1  }
0xa3: {  	[sflag:s23] =	ssyncset.done $0x0  }
0xa4: {  	s25 =	simm.s32 $0x1B8E;
	s24 =	sld [smem:$0x3FFE];
	[sflag:s23] =	ssyncadd.s32 $0xFFFFFFFF  }
0xa5: {  	s26 =	simm.s32 $execute0_lowered;
	[smem:$0x3FD2] =	sst s25  }
0xa6: {  	s5 =	sshll.u32 s26, $0x1;
	_ =	strace $0x80000046;
	[dreg:$0x1] =	wrdreg $0xFFFFFFFF  }
0xa7: {  	s28 =	simm.s32 $_size_execute0_lowered;
	s3 =	sadd.s32 s3, s5;
	[dreg:$0x0] =	wrdreg $0x0  }
0xa8: {  	s5 =	sshll.u32 s28, $0x1;
	[dreg:$0x2] =	wrdreg s3  }
0xa9: {  	[dreg:$0x3] =	wrdreg s5  }
0xaa: {  	[dreg:$0x4] =	wrdreg $0xC0  }
0xab: {  	_ =	task [dreg:s7], $0x5FFFF  }
0xac: {  	[dreg:$0x1] =	wrdreg $0xFFFFFFFF  }
0xad: {  	[dreg:$0x0] =	wrdreg $0x60  }
0xae: {  	[dreg:$0x2] =	wrdreg s2  }
0xaf: {  	[dreg:$0x3] =	wrdreg s24  }
0xb0: {  	[dreg:$0x4] =	wrdreg $0x9  }
0xb1: {  	_ =	task.clear_ibuf [dreg:s7], $0x5FFFF;
	_ =	strace $0x90000046  }
0xb2: {  	s29 =	simm.s32 $0x9;
	_ =	strace $0x80000048  }
0xb3: {  	_ =	swait.ge [sflag:s29], $0x1  }
0xb4: {  	[sflag:s29] =	ssyncadd.s32 $0xFFFFFFFF  }
0xb5: {  	_ =	strace $0x90000048  }
0xb6: {  	_ =	sfence  }
0xb7: {  	s30 =	sld [smem:$0x0];
	_ =	sdelay $0x2  }
0xb8: {  	s31 =	sshll.u32 s1, $0xD;
	s1 =	sshrl.u32 s1, $0x2  }
0xb9: {  	s3 =	sand.u32 $0x4000, s31;
	s1 =	sadd.s32 s1, s30  }
0xba: {  	s0 =	sor.u32 s3, s0;
	s1 =	sshll.u32 s1, $0x11  }
0xbb: {  	s0 =	sor.u32 s1, s0  }
0xbc: {  	s0 =	sadd.s32 $0x8F2B, s0  }
0xbd: {  	[sflag:s0] =	ssyncadd.remote.s32 $0x1  }
0xbe: {  	_ =	sfence.sel $0xFFFF  }
0xbf: {  	[dreg:$0x0] =	wrdreg $0xFFFFFFFF;
	(pc) =	sbr.abs _section_cstart, $3  }
0xc0: {  	[dreg:$0x1] =	wrdreg $0xFFFFFFFF  }
0xc1: {  	_ =	task.clear_ibuf [dreg:s7], $0x2FFFF;
	_ =	strace $0x9FFFFFFF  }
0xc2: {  	(tm) =	ssettm $0x7FFFFFFF  }
0xc3: {  	_ =	shalt  }
tec
execute0_lowered:
.L_overlay_start_1:
0x0: {  	(tag) =	ssettag $0x1  }
0x1: {  	s2 =	rddreg [dreg:$0x0]  }
0x2: {  	s4 =	rddreg [dreg:$0x1]  }
0x3: {  	s0 =	rddreg [dreg:$0x2];
	s5 =	srdreg.scid  }
0x4: {  	s1 =	stileid.u32;
	s3 =	simm.s32 $0x0;
	s9 =	simm.s32 $0x400  }
0x5: {  	s10 =	simm.s32 $0x4400;
	s11 =	simm.s32 $0x100;
	s12 =	simm.s32 $0x8400  }
0x6: {  	s13 =	simm.s32 $0x180;
	s14 =	simm.s32 $0xC400;
	s15 =	simm.s32 $0x200  }
0x7: {  	s16 =	simm.s32 $0x10400;
	s17 =	simm.s32 $0x1;
	s18 =	simm.s32 $0x14400  }
0x8: {  	s5 =	sand.u32 $0x1, s5;
	s6 =	sshll.u32 s1, $0x1;
	[smem:$0x7FF] =	sst s3  }
0x9: {  	s19 =	simm.s32 $0x0;
	s6 =	sor.u32 s5, s6;
	_ =	strace $0x80000047  }
0xa: {  	s5 =	ssub.s32 $0x2, s5;
	s7 =	sshll.u32 s6, $0x7;
	s6 =	sshll.u32 s6, $0x9  }
0xb: {  	s8 =	sshrl.u32 s5, $0x1;
	s7 =	sadd.s32 s7, s4;
	s6 =	sadd.s32 s6, s4  }
0xc: {  	s8 =	ssub.s32 s5, s8;
	s4 =	sadd.s32 $0x1800, s7;
	s5 =	sadd.s32 $0x2800, s6  }
0xd: {  	s6 =	smax.u32 s8, $0x1;
	s7 =	simm.s32 $0x2;
	s8 =	simm.s32 $0x80  }
.LBB2_1:
0xe: {  	[tilespmem:s3], [sflag:$0x2] =	stream.linear.gather [hbm4b:s4+s3], $0x280, $0x38;
	[tilespmem:$0x15400] =	vst v63  }
0xf: {  	_ =	swait.ge [sflag:s7], $0x280  }
0x10: {  	[sflag:s7] =	ssyncset.done $0x0  }
0x11: {  	[sflag:s7] =	ssyncadd.s32 $0xFFFFFD80  }
0x12: {  	[tilespmem:s9], [sflag:$0x1] =	stream.indirect.gather [hbm4b:s2+s8], $0x80, s3, s8, $0xb8;
	[tilespmem:$0x15400] =	vst v63  }
0x13: {  	_ = 	snop  }
0x14: {  	[tilespmem:s10], [sflag:$0x1] =	stream.indirect.gather [hbm4b:s2+s8], $0x80, s8, s8, $0xb8;
	[tilespmem:$0x15400] =	vst v63  }
0x15: {  	_ = 	snop  }
0x16: {  	[tilespmem:s12], [sflag:$0x1] =	stream.indirect.gather [hbm4b:s2+s8], $0x80, s11, s8, $0xb8;
	[tilespmem:$0x15400] =	vst v63  }
0x17: {  	_ = 	snop  }
0x18: {  	[tilespmem:s14], [sflag:$0x1] =	stream.indirect.gather [hbm4b:s2+s8], $0x80, s13, s8, $0xb8;
	[tilespmem:$0x15400] =	vst v63  }
0x19: {  	_ = 	snop  }
0x1a: {  	[tilespmem:s16], [sflag:$0x1] =	stream.indirect.gather [hbm4b:s2+s8], $0x80, s15, s8, $0xb8;
	[tilespmem:$0x15400] =	vst v63  }
0x1b: {  	_ =	swait.ge [sflag:s17], $0x4000  }
0x1c: {  	[sflag:s17] =	ssyncset.done $0x0  }
0x1d: {  	[sflag:s17] =	ssyncadd.s32 $0xFFFFC000  }
0x1e: {  	_ =	swait.ge [sflag:s17], $0x4000  }
0x1f: {  	[sflag:s17] =	ssyncset.done $0x0  }
0x20: {  	[sflag:s17] =	ssyncadd.s32 $0xFFFFC000  }
0x21: {  	_ =	swait.ge [sflag:s17], $0x4000  }
0x22: {  	[sflag:s17] =	ssyncset.done $0x0  }
0x23: {  	[sflag:s17] =	ssyncadd.s32 $0xFFFFC000  }
0x24: {  	_ =	swait.ge [sflag:s17], $0x4000  }
0x25: {  	[sflag:s17] =	ssyncset.done $0x0  }
0x26: {  	[sflag:s17] =	ssyncadd.s32 $0xFFFFC000  }
0x27: {  	_ =	swait.ge [sflag:s17], $0x4000  }
0x28: {  	[sflag:s17] =	ssyncset.done $0x0  }
0x29: {  	s20 =	simm.s32 $0x900;
	[sflag:s17] =	ssyncadd.s32 $0xFFFFC000  }
0x2a: {  	v0 =	vld [tilespmem:s20+$0xFFFFFB00]  }
0x2b: {  	v1 =	vld [tilespmem:s20+$0xFFFFFB10]  }
0x2c: {  	v2 =	vld [tilespmem:s20+$0xFFFFFB80]  }
0x2d: {  	v3 =	vld [tilespmem:s20+$0xFFFFFB90]  }
0x2e: {  	v4 =	vld [tilespmem:s20+$0xFFFFFC00]  }
0x2f: {  	v5 =	vld [tilespmem:s20+$0xFFFFFC10];
	v0 =	vadd.f32 $0.0e+00, v0  }
0x30: {  	v6 =	vld [tilespmem:s20+$0xFFFFFC80]  }
0x31: {  	v7 =	vld [tilespmem:s20+$0xFFFFFD00];
	v1 =	vadd.f32 $0.0e+00, v1;
	v0 =	vadd.f32 v2, v0  }
0x32: {  	v2 =	vld [tilespmem:s20+$0xFFFFFC90]  }
0x33: {  	v44 =	vld [tilespmem:s20+$0xFFFFFD80];
	v1 =	vadd.f32 v3, v1;
	v0 =	vadd.f32 v4, v0  }
0x34: {  	v3 =	vld [tilespmem:s20+$0xFFFFFD10]  }
0x35: {  	v45 =	vld [tilespmem:s20+$0xFFFFFD90];
	v1 =	vadd.f32 v5, v1;
	v0 =	vadd.f32 v6, v0  }
0x36: {  	v46 =	vld [tilespmem:s20+$0xFFFFFE00]  }
0x37: {  	v47 =	vld [tilespmem:s20+$0xFFFFFE80];
	v1 =	vadd.f32 v2, v1;
	v0 =	vadd.f32 v7, v0  }
0x38: {  	v2 =	vld [tilespmem:s20+$0xFFFFFE10]  }
0x39: {  	v48 =	vld [tilespmem:s20+$0xFFFFFF00];
	v1 =	vadd.f32 v3, v1;
	v0 =	vadd.f32 v44, v0  }
0x3a: {  	v3 =	vld [tilespmem:s20+$0xFFFFFE90]  }
0x3b: {  	v49 =	vld [tilespmem:s20+$0xFFFFFF10];
	v1 =	vadd.f32 v45, v1;
	v0 =	vadd.f32 v46, v0  }
0x3c: {  	v50 =	vld [tilespmem:s20+$0xFFFFFF80]  }
0x3d: {  	v51 =	vld [tilespmem:s20+$0x0];
	v1 =	vadd.f32 v2, v1;
	v0 =	vadd.f32 v47, v0  }
0x3e: {  	v2 =	vld [tilespmem:s20+$0xFFFFFF90]  }
0x3f: {  	v52 =	vld [tilespmem:s20+$0x80];
	v1 =	vadd.f32 v3, v1;
	v0 =	vadd.f32 v48, v0  }
0x40: {  	v3 =	vld [tilespmem:s20+$0x10]  }
0x41: {  	v53 =	vld [tilespmem:s20+$0x90];
	v1 =	vadd.f32 v49, v1;
	v0 =	vadd.f32 v50, v0  }
0x42: {  	v54 =	vld [tilespmem:s20+$0x100]  }
0x43: {  	v55 =	vld [tilespmem:s20+$0x180];
	v1 =	vadd.f32 v2, v1;
	v0 =	vadd.f32 v51, v0  }
0x44: {  	v2 =	vld [tilespmem:s20+$0x110]  }
0x45: {  	v56 =	vld [tilespmem:s20+$0x200];
	v1 =	vadd.f32 v3, v1;
	v0 =	vadd.f32 v52, v0  }
0x46: {  	v3 =	vld [tilespmem:s20+$0x190]  }
0x47: {  	v57 =	vld [tilespmem:s20+$0x210];
	v1 =	vadd.f32 v53, v1;
	v0 =	vadd.f32 v54, v0  }
0x48: {  	v58 =	vld [tilespmem:s20+$0x280]  }
0x49: {  	v59 =	vld [tilespmem:s20+$0x300];
	v1 =	vadd.f32 v2, v1;
	v0 =	vadd.f32 v55, v0  }
0x4a: {  	v2 =	vld [tilespmem:s20+$0x290]  }
0x4b: {  	v60 =	vld [tilespmem:s20+$0x380];
	v1 =	vadd.f32 v3, v1;
	v0 =	vadd.f32 v56, v0  }
0x4c: {  	v3 =	vld [tilespmem:s20+$0x310]  }
0x4d: {  	v61 =	vld [tilespmem:s20+$0x390];
	v1 =	vadd.f32 v57, v1;
	v0 =	vadd.f32 v58, v0  }
0x4e: {  	v62 =	vld [tilespmem:s20+$0x400]  }
0x4f: {  	v63 =	vld [tilespmem:s20+$0x480];
	v1 =	vadd.f32 v2, v1;
	v0 =	vadd.f32 v59, v0  }
0x50: {  	v2 =	vld [tilespmem:s20+$0x410]  }
0x51: {  	v1 =	vadd.f32 v3, v1;
	v0 =	vadd.f32 v60, v0  }
0x52: {  	v3 =	vld [tilespmem:s20+$0x490]  }
0x53: {  	v1 =	vadd.f32 v61, v1;
	v0 =	vadd.f32 v62, v0;
	_ =	sdelay $0x1  }
0x54: {  	v1 =	vadd.f32 v2, v1;
	v0 =	vadd.f32 v63, v0;
	_ =	sdelay $0x1  }
0x55: {  	v1 =	vadd.f32 v3, v1;
	v2 =	vmul.f32 $5.000000070e-02, v0  }
0x56: {  	s22 =	simm.s32 $0x0  }
0x57: {  	s21 =	simm.s32 $0x200;
	v0 =	vmul.f32 $5.000000070e-02, v1;
	[tilespmem:s22+$0x14400] =	vst v2  }
.LBB2_2:
0x58: {  	p0 =	sne.s32 s21, $0x3E00  }
0x59: {  	[tilespmem:s22+$0x14410] =	vst v0;
	s20 =	sadd.s32 $0xA00, s20;
	s22 =	smov.u32 s21;
	s21 =	sadd.s32 $0x200, s21  }
0x5a: {  	v0 =	vld [tilespmem:s20+$0xFFFFFB00]  }
0x5b: {  	v1 =	vld [tilespmem:s20+$0xFFFFFB10]  }
0x5c: {  	v2 =	vld [tilespmem:s20+$0xFFFFFB80]  }
0x5d: {  	v3 =	vld [tilespmem:s20+$0xFFFFFB90]  }
0x5e: {  	v4 =	vld [tilespmem:s20+$0xFFFFFC00]  }
0x5f: {  	v0 =	vadd.f32 $0.0e+00, v0;
	v5 =	vld [tilespmem:s20+$0xFFFFFC10]  }
0x60: {  	v1 =	vadd.f32 $0.0e+00, v1;
	v6 =	vld [tilespmem:s20+$0xFFFFFC80]  }
0x61: {  	v0 =	vadd.f32 v2, v0;
	v2 =	vld [tilespmem:s20+$0xFFFFFC90]  }
0x62: {  	v1 =	vadd.f32 v3, v1;
	v3 =	vld [tilespmem:s20+$0xFFFFFD00]  }
0x63: {  	v0 =	vadd.f32 v4, v0;
	v4 =	vld [tilespmem:s20+$0xFFFFFD10]  }
0x64: {  	v1 =	vadd.f32 v5, v1;
	v5 =	vld [tilespmem:s20+$0xFFFFFD80]  }
0x65: {  	v0 =	vadd.f32 v6, v0;
	v6 =	vld [tilespmem:s20+$0xFFFFFD90]  }
0x66: {  	v1 =	vadd.f32 v2, v1;
	v2 =	vld [tilespmem:s20+$0xFFFFFE00]  }
0x67: {  	v0 =	vadd.f32 v3, v0;
	v3 =	vld [tilespmem:s20+$0xFFFFFE10]  }
0x68: {  	v1 =	vadd.f32 v4, v1;
	v4 =	vld [tilespmem:s20+$0xFFFFFE80]  }
0x69: {  	v0 =	vadd.f32 v5, v0;
	v5 =	vld [tilespmem:s20+$0xFFFFFE90]  }
0x6a: {  	v1 =	vadd.f32 v6, v1;
	v6 =	vld [tilespmem:s20+$0xFFFFFF00]  }
0x6b: {  	v0 =	vadd.f32 v2, v0;
	v2 =	vld [tilespmem:s20+$0xFFFFFF10]  }
0x6c: {  	v1 =	vadd.f32 v3, v1;
	v3 =	vld [tilespmem:s20+$0xFFFFFF80]  }
0x6d: {  	v0 =	vadd.f32 v4, v0;
	v4 =	vld [tilespmem:s20+$0xFFFFFF90]  }
0x6e: {  	v1 =	vadd.f32 v5, v1;
	v5 =	vld [tilespmem:s20+$0x0]  }
0x6f: {  	v0 =	vadd.f32 v6, v0;
	v6 =	vld [tilespmem:s20+$0x10]  }
0x70: {  	v1 =	vadd.f32 v2, v1;
	v2 =	vld [tilespmem:s20+$0x80]  }
0x71: {  	v0 =	vadd.f32 v3, v0;
	v3 =	vld [tilespmem:s20+$0x90]  }
0x72: {  	v1 =	vadd.f32 v4, v1;
	v4 =	vld [tilespmem:s20+$0x100]  }
0x73: {  	v0 =	vadd.f32 v5, v0;
	v5 =	vld [tilespmem:s20+$0x110]  }
0x74: {  	v1 =	vadd.f32 v6, v1;
	v6 =	vld [tilespmem:s20+$0x180]  }
0x75: {  	v0 =	vadd.f32 v2, v0;
	v2 =	vld [tilespmem:s20+$0x190]  }
0x76: {  	v1 =	vadd.f32 v3, v1;
	v3 =	vld [tilespmem:s20+$0x200]  }
0x77: {  	v0 =	vadd.f32 v4, v0;
	v4 =	vld [tilespmem:s20+$0x210]  }
0x78: {  	v1 =	vadd.f32 v5, v1;
	v5 =	vld [tilespmem:s20+$0x280]  }
0x79: {  	v0 =	vadd.f32 v6, v0;
	v6 =	vld [tilespmem:s20+$0x290]  }
0x7a: {  	v1 =	vadd.f32 v2, v1;
	v2 =	vld [tilespmem:s20+$0x300]  }
0x7b: {  	v0 =	vadd.f32 v3, v0;
	v3 =	vld [tilespmem:s20+$0x310]  }
0x7c: {  	v1 =	vadd.f32 v4, v1;
	v4 =	vld [tilespmem:s20+$0x380]  }
0x7d: {  	v0 =	vadd.f32 v5, v0;
	v5 =	vld [tilespmem:s20+$0x390]  }
0x7e: {  	v1 =	vadd.f32 v6, v1;
	v6 =	vld [tilespmem:s20+$0x400]  }
0x7f: {  	v0 =	vadd.f32 v2, v0;
	v2 =	vld [tilespmem:s20+$0x410]  }
0x80: {  	v1 =	vadd.f32 v3, v1;
	v3 =	vld [tilespmem:s20+$0x480]  }
0x81: {  	v0 =	vadd.f32 v4, v0;
	v4 =	vld [tilespmem:s20+$0x490]  }
0x82: {  	v1 =	vadd.f32 v5, v1  }
0x83: {  	v0 =	vadd.f32 v6, v0  }
0x84: {  	v1 =	vadd.f32 v2, v1  }
.Ltmp0:
0x85: {  	v0 =	vadd.f32 v3, v0;
	(pc) =	sbr.rel @p0 .LBB2_2-.Ltmp0, $4  }
0x86: {  	v1 =	vadd.f32 v4, v1  }
0x87: {  	v2 =	vmul.f32 $5.000000070e-02, v0  }
0x88: {  	s22 =	sshra.s32 s22, $0x2;
	v0 =	vmul.f32 $5.000000070e-02, v1  }
0x89: {  	[tilespmem:s22+$0x14400] =	vst v2  }
0x8a: {  	s19 =	sadd.s32 $0x1, s19  }
0x8b: {  	p0 =	sne.s32 s19, s6  }
.Ltmp1:
0x8c: {  	[tilespmem:s22+$0x14410] =	vst v0;
	(pc) =	sbr.rel @p0 .LBB2_1-.Ltmp1, $4  }
0x8d: {  	[hbm4b:s5+s3] =	stream.linear.scatter [tilespmem:s18], [sflag:$0x2], $0x1000, $0x38;
	[tilespmem:$0x15400] =	vst v63  }
0x8e: {  	_ =	swait.ge [sflag:s7], $0x1000  }
0x8f: {  	[sflag:s7] =	ssyncset.done $0x0  }
0x90: {  	[sflag:s7] =	ssyncadd.s32 $0xFFFFF000  }
0x91: {  	_ =	sfence.sel $0x180000  }
0x92: {  	[bflag:$0x0] =	sbarrier.arrive $0xFFFF  }
0x93: {  	p0 =	sne.s32 s1, $0x0;
	_ =	strace $0x90000047  }
0x94: {  	s0 =	sadd.s32 @!p0 $0x100000, s0;
	[bflag:$0x2] =	sbarrier.arrive $0xFFFF  }
0x95: {  	[sflag:s0] =	ssyncadd.tile.s32 @!p0 $0x1;
	_ =	shalt  }
.Lfunc_end2:
_tile_overlayer_lowered:
.L_overlay_start_2:
0x96: {  	(tag) =	ssettag $0x2  }
0x97: {  	s0 =	rddreg [dreg:$0x0];
	s2 =	stileid.u32  }
0x98: {  	s1 =	rddreg [dreg:$0x1];
	p0 =	sne.s32 s2, $0x0  }
0x99: {  	s3 =	rddreg [dreg:$0x2];
	[bflag:$0x3] =	sbarrier.arrive $0xFFFF;
	s2 =	simm.s32 @!p0 $0x1C02  }
0x9a: {  	[timem:s3], [sflag:s2] =	dma.local @!p0 [hbm:s0], s1  }
0x9b: {  	s0 =	simm.s32 @!p0 $0x2  }
0x9c: {  	_ =	swait.ge @!p0 [sflag:s0], s1  }
0x9d: {  	s1 =	ssub.s32 @!p0 $0x0, s1;
	[sflag:s0] =	ssyncset.done @!p0 $0x0  }
0x9e: {  	[sflag:s0] =	ssyncadd.s32 @!p0 s1  }
0x9f: {  	[bflag:$0x3] =	sbarrier.arrive $0xFFFF  }
0xa0: {  	_ =	shalt  }

</sc_bundles>
